<compile_context>
chip_gen: v7x
topology: tpu7x:2x2x1
jax: 0.10.2.dev20260603
libtpu: 0.0.44.dev20260713+nightly
codegen_flags: <defaults>
</compile_context>

<pallas_src>
import functools

import jax
import jax.numpy as jnp
from jax import lax
from jax.experimental import pallas as pl
from jax.experimental.pallas import tpu as pltpu
from jax.experimental.pallas import tpu_sc as plsc

Q = 1024
K = 100000
D = 128
NCS = 3

QT = 256
KB = 10000
NKB = K // KB


def _phase_a_body(q_ref, c_ref, vals_ref, idx_ref, rv_ref, ri_ref):
    ki = pl.program_id(1)

    @pl.when(ki == 0)
    def _init():
        rv_ref[...] = jnp.full((QT, 8), -jnp.inf, jnp.float32)
        ri_ref[...] = jnp.zeros((QT, 8), jnp.float32)

    scores = lax.dot_general(
        q_ref[...], c_ref[...], (((1,), (1,)), ((), ())),
        preferred_element_type=jnp.float32)
    colg = (lax.broadcasted_iota(jnp.int32, (1, KB), 1)
            + ki * KB).astype(jnp.float32)

    r0v, r1v, r2v = rv_ref[:, 0:1], rv_ref[:, 1:2], rv_ref[:, 2:3]
    r0i, r1i, r2i = ri_ref[:, 0:1], ri_ref[:, 1:2], ri_ref[:, 2:3]

    for r in range(NCS):
        m = jnp.max(scores, axis=1, keepdims=True)
        im = jnp.min(jnp.where(scores == m, colg, jnp.inf),
                     axis=1, keepdims=True)
        if r < NCS - 1:
            scores = jnp.where(colg == im, -jnp.inf, scores)
        b0 = m > r0v
        b1 = m > r1v
        b2 = m > r2v
        n0v = jnp.where(b0, m, r0v)
        n0i = jnp.where(b0, im, r0i)
        n1v = jnp.where(b0, r0v, jnp.where(b1, m, r1v))
        n1i = jnp.where(b0, r0i, jnp.where(b1, im, r1i))
        n2v = jnp.where(b1, r1v, jnp.where(b2, m, r2v))
        n2i = jnp.where(b1, r1i, jnp.where(b2, im, r2i))
        r0v, r1v, r2v = n0v, n1v, n2v
        r0i, r1i, r2i = n0i, n1i, n2i

    rv_ref[:, 0:1], rv_ref[:, 1:2], rv_ref[:, 2:3] = r0v, r1v, r2v
    ri_ref[:, 0:1], ri_ref[:, 1:2], ri_ref[:, 2:3] = r0i, r1i, r2i

    @pl.when(ki == NKB - 1)
    def _write():
        vals_ref[...] = rv_ref[:, 0:NCS]
        idx_ref[...] = ri_ref[:, 0:NCS].astype(jnp.int32)


_phase_a = pl.pallas_call(
    _phase_a_body,
    grid=(Q // QT, NKB),
    in_specs=[
        pl.BlockSpec((QT, D), lambda qi, ki: (qi, 0)),
        pl.BlockSpec((KB, D), lambda qi, ki: (ki, 0)),
    ],
    out_specs=[
        pl.BlockSpec((QT, NCS), lambda qi, ki: (qi, 0)),
        pl.BlockSpec((QT, NCS), lambda qi, ki: (qi, 0)),
    ],
    out_shape=[
        jax.ShapeDtypeStruct((Q, NCS), jnp.float32),
        jax.ShapeDtypeStruct((Q, NCS), jnp.int32),
    ],
    scratch_shapes=[
        pltpu.VMEM((QT, 8), jnp.float32),
        pltpu.VMEM((QT, 8), jnp.float32),
    ],
    compiler_params=pltpu.CompilerParams(
        dimension_semantics=("arbitrary", "arbitrary")),
)


def _make_phase_b():
    info = plsc.get_sparse_core_info()
    nc, ns, nl = info.num_cores, info.num_subcores, info.num_lanes
    nw = nc * ns
    b_total = Q * NCS
    bpw = b_total // nw
    mesh = plsc.VectorSubcoreMesh(core_axis_name="c", subcore_axis_name="s")

    @functools.partial(
        pl.kernel,
        mesh=mesh,
        out_type=jax.ShapeDtypeStruct((b_total, D), jnp.float32),
        scratch_types=[
            pltpu.VMEM((bpw,), jnp.int32),
            pltpu.VMEM((bpw, nl), jnp.float32),
            pltpu.VMEM((bpw, D), jnp.float32),
            pltpu.SemaphoreType.DMA,
        ],
    )
    def gather_weight(c_hbm, idx_hbm, vals_hbm, out_hbm,
                      idx_v, vals_v, rows_v, sem):
        wid = lax.axis_index("s") * nc + lax.axis_index("c")
        base = wid * bpw
        pltpu.sync_copy(idx_hbm.at[pl.ds(base, bpw)], idx_v)
        pltpu.sync_copy(vals_hbm.at[pl.ds(base, bpw)], vals_v)
        pltpu.async_copy(c_hbm.at[idx_v], rows_v, sem).wait()

        def row_body(r, carry):
            vs = vals_v[r, :]
            for ch in range(D // nl):
                sl = pl.ds(ch * nl, nl)
                rows_v[r, sl] = rows_v[r, sl] * vs
            return carry

        lax.fori_loop(0, bpw, row_body, 0)
        pltpu.sync_copy(rows_v, out_hbm.at[pl.ds(base, bpw)])

    return gather_weight


_phase_b_cache = []


def _phase_b(c, idx, vals):
    if not _phase_b_cache:
        _phase_b_cache.append(_make_phase_b())
    return _phase_b_cache[0](c, idx, vals)


def kernel(q, c):
    vals_t, idx_t = _phase_a(q, c)
    vals = vals_t.reshape(-1)
    idx = idx_t.reshape(-1)
    vals16 = jnp.broadcast_to(vals[:, None], (Q * NCS, 16))
    rows = _phase_b(c, idx, vals16)
    return rows.reshape(Q, NCS, D)

# --- scband reference (transcript-rebuilt; emitter-appended) ---
"""Pipeline reference for scband-end-to-end-model-78778290143868 (READ-ONLY COPY).

The authoritative reference and input builder live on the scoring server;
editing this copy changes nothing except your own understanding.
"""

import jax, jax.numpy as jnp
import numpy as np

N_CTX_SENTS = 3  # n_ctx_sents from __init__

def setup_inputs(seed: int = 0) -> dict:
    key = jax.random.key(seed)
    k1, k2 = jax.random.split(key)
    # q: encoded query representations [Q, d]
    q = jax.random.normal(k1, (1024, 128), dtype=jnp.float32)
    # c: encoded candidate sentence representations [K, d]
    c = jax.random.normal(k2, (100000, 128), dtype=jnp.float32)
    return {"q": q, "c": c}

def reference(q, c):
    # Core retrieval kernel of EndToEndModel.forward:
    # for each query, ir_model scores every candidate sentence, then the
    # top n_ctx_sents candidates are selected and their encodings gathered
    # to form the context fed to the reader (rc_model).
    # ir_model is realized as a dense dot-product relevance scorer.
    scores = q @ c.T                                  # [Q, K] relevance scores (ir_model over all candidates)
    vals, topk_idx = jax.lax.top_k(scores, N_CTX_SENTS)  # torch.topk(c_scores, n_ctx_sents)
    gathered = jnp.take(c, topk_idx, axis=0)          # sents = c[topk_idx] -> [Q, n_ctx, d]
    # score-weighted selected context representations (ctx assembly)
    ctx = vals[:, :, None] * gathered                 # [Q, n_ctx, d]
    return ctx

if __name__ == "__main__":
    import jax
    _d = setup_inputs()
    print(jax.jit(kernel)(*tuple(_d.values())))

</pallas_src>

<mosaic_0001>
#map = affine_map<(d0, d1) -> (0, 0)>
#map1 = affine_map<(d0, d1) -> (0)>
module attributes {stable_mosaic.version = 14 : i64} {
  func.func @gather_weight(%arg0: i32, %arg1: i32, %arg2: memref<100000x128xf32, #tpu.memory_space<hbm>>, %arg3: memref<3072xi32, #tpu.memory_space<hbm>>, %arg4: memref<3072x16xf32, #tpu.memory_space<hbm>>, %arg5: memref<3072x128xf32, #tpu.memory_space<hbm>>, %arg6: memref<96xi32, #tpu.memory_space<vmem>>, %arg7: memref<96x16xf32, #tpu.memory_space<vmem>>, %arg8: memref<96x128xf32, #tpu.memory_space<vmem>>, %arg9: memref<!tpu.dma_semaphore, #tpu.memory_space<semaphore_mem>>) attributes {dimension_semantics = [#tpu.dimension_semantics<core_parallel>, #tpu.dimension_semantics<subcore_parallel>], iteration_bounds = array<i64: 2, 16>, scalar_prefetch = 0 : i64, scratch_operands = 4 : i64, tpu.core_type = #tpu.core_type<sc_vector_subcore>, window_params = [{transform_indices = #map}, {transform_indices = #map1}, {transform_indices = #map}, {transform_indices = #map}]} {
    %mul3A = arith.constant 2 : i32
    %mul3A_0 = arith.muli %arg1, %mul3A : i32
    %add3A = arith.addi %mul3A_0, %arg0 : i32
    %mul3A_1 = arith.constant 96 : i32
    %mul3A_2 = arith.muli %add3A, %mul3A_1 : i32
    "tpu.region"() ({
      %run_scoped3A = tpu.sem_alloc : memref<!tpu.dma_semaphore, #tpu.memory_space<semaphore_mem>>
      %dma_start3A_12 = tpu.memref_slice %arg3[%mul3A_2] : memref<3072xi32, #tpu.memory_space<hbm>> -> memref<96xi32, #tpu.memory_space<hbm>>
      %dma_start3A_13 = tpu.memref_slice %arg3[%mul3A_2] : memref<3072xi32, #tpu.memory_space<hbm>> -> memref<96xi32, #tpu.memory_space<hbm>>
      tpu.enqueue_dma source(%dma_start3A_13 : memref<96xi32, #tpu.memory_space<hbm>>) target(%arg6 : memref<96xi32, #tpu.memory_space<vmem>>) target_semaphore(%run_scoped3A : memref<!tpu.dma_semaphore, #tpu.memory_space<semaphore_mem>>)
      %dma_wait3A_14 = tpu.memref_slice %arg3[%mul3A_2] : memref<3072xi32, #tpu.memory_space<hbm>> -> memref<96xi32, #tpu.memory_space<hbm>>
      %dma_wait3A_15 = tpu.memref_slice %arg3[%mul3A_2] : memref<3072xi32, #tpu.memory_space<hbm>> -> memref<96xi32, #tpu.memory_space<hbm>>
      tpu.wait_dma2 semaphore(%run_scoped3A : memref<!tpu.dma_semaphore, #tpu.memory_space<semaphore_mem>>) src(%dma_wait3A_15 : memref<96xi32, #tpu.memory_space<hbm>>) dst(%arg6 : memref<96xi32, #tpu.memory_space<vmem>>)
      tpu.yield
    }) : () -> ()
    "tpu.region"() ({
      %run_scoped3A = tpu.sem_alloc : memref<!tpu.dma_semaphore, #tpu.memory_space<semaphore_mem>>
      %dma_start3A_12 = arith.constant 0 : i32
      %dma_start3A_13 = tpu.memref_slice %arg4[%mul3A_2, %dma_start3A_12] : memref<3072x16xf32, #tpu.memory_space<hbm>> -> memref<96x16xf32, #tpu.memory_space<hbm>>
      %dma_start3A_14 = arith.constant 0 : i32
      %dma_start3A_15 = tpu.memref_slice %arg4[%mul3A_2, %dma_start3A_14] : memref<3072x16xf32, #tpu.memory_space<hbm>> -> memref<96x16xf32, #tpu.memory_space<hbm>>
      tpu.enqueue_dma source(%dma_start3A_15 : memref<96x16xf32, #tpu.memory_space<hbm>>) target(%arg7 : memref<96x16xf32, #tpu.memory_space<vmem>>) target_semaphore(%run_scoped3A : memref<!tpu.dma_semaphore, #tpu.memory_space<semaphore_mem>>)
      %dma_wait3A_16 = arith.constant 0 : i32
      %dma_wait3A_17 = tpu.memref_slice %arg4[%mul3A_2, %dma_wait3A_16] : memref<3072x16xf32, #tpu.memory_space<hbm>> -> memref<96x16xf32, #tpu.memory_space<hbm>>
      %dma_wait3A_18 = arith.constant 0 : i32
      %dma_wait3A_19 = tpu.memref_slice %arg4[%mul3A_2, %dma_wait3A_18] : memref<3072x16xf32, #tpu.memory_space<hbm>> -> memref<96x16xf32, #tpu.memory_space<hbm>>
      tpu.wait_dma2 semaphore(%run_scoped3A : memref<!tpu.dma_semaphore, #tpu.memory_space<semaphore_mem>>) src(%dma_wait3A_19 : memref<96x16xf32, #tpu.memory_space<hbm>>) dst(%arg7 : memref<96x16xf32, #tpu.memory_space<vmem>>)
      tpu.yield
    }) : () -> ()
    %dma_start3A = arith.constant 0 : i32
    %dma_start3A_3 = arith.constant 0 : i32
    %dma_start3A_4 = tpu.memref_slice %arg2[%dma_start3A, %dma_start3A_3] : memref<100000x128xf32, #tpu.memory_space<hbm>> -> memref<100000x128xf32, #tpu.memory_space<hbm>>
    tpu.enqueue_indirect_dma source(%dma_start3A_4 : memref<100000x128xf32, #tpu.memory_space<hbm>>) target(%arg8 : memref<96x128xf32, #tpu.memory_space<vmem>>) offsets(%arg6 : memref<96xi32, #tpu.memory_space<vmem>>) semaphore(%arg9 : memref<!tpu.dma_semaphore, #tpu.memory_space<semaphore_mem>>)
    %dma_wait3A = arith.constant 0 : i32
    %dma_wait3A_5 = arith.constant 0 : i32
    %dma_wait3A_6 = tpu.memref_slice %arg2[%dma_wait3A, %dma_wait3A_5] : memref<100000x128xf32, #tpu.memory_space<hbm>> -> memref<100000x128xf32, #tpu.memory_space<hbm>>
    tpu.wait_indirect_dma semaphore(%arg9 : memref<!tpu.dma_semaphore, #tpu.memory_space<semaphore_mem>>) src(%dma_wait3A_6 : memref<100000x128xf32, #tpu.memory_space<hbm>>) dst(%arg8 : memref<96x128xf32, #tpu.memory_space<vmem>>)
    %scan3A = arith.constant 0 : i32
    %scan3A_7 = arith.constant 0 : i32
    %scan3A_8 = arith.constant 96 : i32
    %scan3A_9 = arith.addi %scan3A_7, %scan3A_8 : i32
    %scan3A_10 = arith.constant 1 : i32
    scf.for %scan3A_12 = %scan3A_7 to %scan3A_9 step %scan3A_10  : i32 {
      %get3A = arith.index_cast %scan3A_12 : i32 to index
      %get3A_13 = arith.constant 0 : index
      %get3A_14 = tpu.vector_load %arg7[%get3A, %get3A_13] {strides = array<i32>} : memref<96x16xf32, #tpu.memory_space<vmem>>, vector<1x16xf32>,
      %get3A_15 = vector.shape_cast %get3A_14 : vector<1x16xf32> to vector<16xf32>
      %get3A_16 = arith.index_cast %scan3A_12 : i32 to index
      %get3A_17 = arith.constant 0 : index
      %get3A_18 = tpu.vector_load %arg8[%get3A_16, %get3A_17] {strides = array<i32>} : memref<96x128xf32, #tpu.memory_space<vmem>>, vector<1x16xf32>,
      %get3A_19 = vector.shape_cast %get3A_18 : vector<1x16xf32> to vector<16xf32>
      %mul3A_20 = arith.mulf %get3A_19, %get3A_15 : vector<16xf32>
      %swap3A = arith.index_cast %scan3A_12 : i32 to index
      %swap3A_21 = arith.constant 0 : index
      %swap3A_22 = tpu.vector_load %arg8[%swap3A, %swap3A_21] {strides = array<i32>} : memref<96x128xf32, #tpu.memory_space<vmem>>, vector<1x16xf32>,
      %swap3A_23 = vector.shape_cast %swap3A_22 : vector<1x16xf32> to vector<16xf32>
      %swap3A_24 = vector.shape_cast %mul3A_20 : vector<16xf32> to vector<1x16xf32>
      tpu.vector_store %arg8[%swap3A, %swap3A_21], %swap3A_24 {strides = array<i32>} : memref<96x128xf32, #tpu.memory_space<vmem>>, vector<1x16xf32>,
      %get3A_25 = arith.index_cast %scan3A_12 : i32 to index
      %get3A_26 = arith.constant 16 : index
      %get3A_27 = tpu.vector_load %arg8[%get3A_25, %get3A_26] {strides = array<i32>} : memref<96x128xf32, #tpu.memory_space<vmem>>, vector<1x16xf32>,
      %get3A_28 = vector.shape_cast %get3A_27 : vector<1x16xf32> to vector<16xf32>
      %mul3A_29 = arith.mulf %get3A_28, %get3A_15 : vector<16xf32>
      %swap3A_30 = arith.index_cast %scan3A_12 : i32 to index
      %swap3A_31 = arith.constant 16 : index
      %swap3A_32 = tpu.vector_load %arg8[%swap3A_30, %swap3A_31] {strides = array<i32>} : memref<96x128xf32, #tpu.memory_space<vmem>>, vector<1x16xf32>,
      %swap3A_33 = vector.shape_cast %swap3A_32 : vector<1x16xf32> to vector<16xf32>
      %swap3A_34 = vector.shape_cast %mul3A_29 : vector<16xf32> to vector<1x16xf32>
      tpu.vector_store %arg8[%swap3A_30, %swap3A_31], %swap3A_34 {strides = array<i32>} : memref<96x128xf32, #tpu.memory_space<vmem>>, vector<1x16xf32>,
      %get3A_35 = arith.index_cast %scan3A_12 : i32 to index
      %get3A_36 = arith.constant 32 : index
      %get3A_37 = tpu.vector_load %arg8[%get3A_35, %get3A_36] {strides = array<i32>} : memref<96x128xf32, #tpu.memory_space<vmem>>, vector<1x16xf32>,
      %get3A_38 = vector.shape_cast %get3A_37 : vector<1x16xf32> to vector<16xf32>
      %mul3A_39 = arith.mulf %get3A_38, %get3A_15 : vector<16xf32>
      %swap3A_40 = arith.index_cast %scan3A_12 : i32 to index
      %swap3A_41 = arith.constant 32 : index
      %swap3A_42 = tpu.vector_load %arg8[%swap3A_40, %swap3A_41] {strides = array<i32>} : memref<96x128xf32, #tpu.memory_space<vmem>>, vector<1x16xf32>,
      %swap3A_43 = vector.shape_cast %swap3A_42 : vector<1x16xf32> to vector<16xf32>
      %swap3A_44 = vector.shape_cast %mul3A_39 : vector<16xf32> to vector<1x16xf32>
      tpu.vector_store %arg8[%swap3A_40, %swap3A_41], %swap3A_44 {strides = array<i32>} : memref<96x128xf32, #tpu.memory_space<vmem>>, vector<1x16xf32>,
      %get3A_45 = arith.index_cast %scan3A_12 : i32 to index
      %get3A_46 = arith.constant 48 : index
      %get3A_47 = tpu.vector_load %arg8[%get3A_45, %get3A_46] {strides = array<i32>} : memref<96x128xf32, #tpu.memory_space<vmem>>, vector<1x16xf32>,
      %get3A_48 = vector.shape_cast %get3A_47 : vector<1x16xf32> to vector<16xf32>
      %mul3A_49 = arith.mulf %get3A_48, %get3A_15 : vector<16xf32>
      %swap3A_50 = arith.index_cast %scan3A_12 : i32 to index
      %swap3A_51 = arith.constant 48 : index
      %swap3A_52 = tpu.vector_load %arg8[%swap3A_50, %swap3A_51] {strides = array<i32>} : memref<96x128xf32, #tpu.memory_space<vmem>>, vector<1x16xf32>,
      %swap3A_53 = vector.shape_cast %swap3A_52 : vector<1x16xf32> to vector<16xf32>
      %swap3A_54 = vector.shape_cast %mul3A_49 : vector<16xf32> to vector<1x16xf32>
      tpu.vector_store %arg8[%swap3A_50, %swap3A_51], %swap3A_54 {strides = array<i32>} : memref<96x128xf32, #tpu.memory_space<vmem>>, vector<1x16xf32>,
      %get3A_55 = arith.index_cast %scan3A_12 : i32 to index
      %get3A_56 = arith.constant 64 : index
      %get3A_57 = tpu.vector_load %arg8[%get3A_55, %get3A_56] {strides = array<i32>} : memref<96x128xf32, #tpu.memory_space<vmem>>, vector<1x16xf32>,
      %get3A_58 = vector.shape_cast %get3A_57 : vector<1x16xf32> to vector<16xf32>
      %mul3A_59 = arith.mulf %get3A_58, %get3A_15 : vector<16xf32>
      %swap3A_60 = arith.index_cast %scan3A_12 : i32 to index
      %swap3A_61 = arith.constant 64 : index
      %swap3A_62 = tpu.vector_load %arg8[%swap3A_60, %swap3A_61] {strides = array<i32>} : memref<96x128xf32, #tpu.memory_space<vmem>>, vector<1x16xf32>,
      %swap3A_63 = vector.shape_cast %swap3A_62 : vector<1x16xf32> to vector<16xf32>
      %swap3A_64 = vector.shape_cast %mul3A_59 : vector<16xf32> to vector<1x16xf32>
      tpu.vector_store %arg8[%swap3A_60, %swap3A_61], %swap3A_64 {strides = array<i32>} : memref<96x128xf32, #tpu.memory_space<vmem>>, vector<1x16xf32>,
      %get3A_65 = arith.index_cast %scan3A_12 : i32 to index
      %get3A_66 = arith.constant 80 : index
      %get3A_67 = tpu.vector_load %arg8[%get3A_65, %get3A_66] {strides = array<i32>} : memref<96x128xf32, #tpu.memory_space<vmem>>, vector<1x16xf32>,
      %get3A_68 = vector.shape_cast %get3A_67 : vector<1x16xf32> to vector<16xf32>
      %mul3A_69 = arith.mulf %get3A_68, %get3A_15 : vector<16xf32>
      %swap3A_70 = arith.index_cast %scan3A_12 : i32 to index
      %swap3A_71 = arith.constant 80 : index
      %swap3A_72 = tpu.vector_load %arg8[%swap3A_70, %swap3A_71] {strides = array<i32>} : memref<96x128xf32, #tpu.memory_space<vmem>>, vector<1x16xf32>,
      %swap3A_73 = vector.shape_cast %swap3A_72 : vector<1x16xf32> to vector<16xf32>
      %swap3A_74 = vector.shape_cast %mul3A_69 : vector<16xf32> to vector<1x16xf32>
      tpu.vector_store %arg8[%swap3A_70, %swap3A_71], %swap3A_74 {strides = array<i32>} : memref<96x128xf32, #tpu.memory_space<vmem>>, vector<1x16xf32>,
      %get3A_75 = arith.index_cast %scan3A_12 : i32 to index
      %get3A_76 = arith.constant 96 : index
      %get3A_77 = tpu.vector_load %arg8[%get3A_75, %get3A_76] {strides = array<i32>} : memref<96x128xf32, #tpu.memory_space<vmem>>, vector<1x16xf32>,
      %get3A_78 = vector.shape_cast %get3A_77 : vector<1x16xf32> to vector<16xf32>
      %mul3A_79 = arith.mulf %get3A_78, %get3A_15 : vector<16xf32>
      %swap3A_80 = arith.index_cast %scan3A_12 : i32 to index
      %swap3A_81 = arith.constant 96 : index
      %swap3A_82 = tpu.vector_load %arg8[%swap3A_80, %swap3A_81] {strides = array<i32>} : memref<96x128xf32, #tpu.memory_space<vmem>>, vector<1x16xf32>,
      %swap3A_83 = vector.shape_cast %swap3A_82 : vector<1x16xf32> to vector<16xf32>
      %swap3A_84 = vector.shape_cast %mul3A_79 : vector<16xf32> to vector<1x16xf32>
      tpu.vector_store %arg8[%swap3A_80, %swap3A_81], %swap3A_84 {strides = array<i32>} : memref<96x128xf32, #tpu.memory_space<vmem>>, vector<1x16xf32>,
      %get3A_85 = arith.index_cast %scan3A_12 : i32 to index
      %get3A_86 = arith.constant 112 : index
      %get3A_87 = tpu.vector_load %arg8[%get3A_85, %get3A_86] {strides = array<i32>} : memref<96x128xf32, #tpu.memory_space<vmem>>, vector<1x16xf32>,
      %get3A_88 = vector.shape_cast %get3A_87 : vector<1x16xf32> to vector<16xf32>
      %mul3A_89 = arith.mulf %get3A_88, %get3A_15 : vector<16xf32>
      %swap3A_90 = arith.index_cast %scan3A_12 : i32 to index
      %swap3A_91 = arith.constant 112 : index
      %swap3A_92 = tpu.vector_load %arg8[%swap3A_90, %swap3A_91] {strides = array<i32>} : memref<96x128xf32, #tpu.memory_space<vmem>>, vector<1x16xf32>,
      %swap3A_93 = vector.shape_cast %swap3A_92 : vector<1x16xf32> to vector<16xf32>
      %swap3A_94 = vector.shape_cast %mul3A_89 : vector<16xf32> to vector<1x16xf32>
      tpu.vector_store %arg8[%swap3A_90, %swap3A_91], %swap3A_94 {strides = array<i32>} : memref<96x128xf32, #tpu.memory_space<vmem>>, vector<1x16xf32>,
    }
    %scan3A_11 = arith.constant 96 : i32
    "tpu.region"() ({
      %run_scoped3A = tpu.sem_alloc : memref<!tpu.dma_semaphore, #tpu.memory_space<semaphore_mem>>
      %dma_start3A_12 = arith.constant 0 : i32
      %dma_start3A_13 = tpu.memref_slice %arg5[%mul3A_2, %dma_start3A_12] : memref<3072x128xf32, #tpu.memory_space<hbm>> -> memref<96x128xf32, #tpu.memory_space<hbm>>
      %dma_start3A_14 = arith.constant 0 : i32
      %dma_start3A_15 = tpu.memref_slice %arg5[%mul3A_2, %dma_start3A_14] : memref<3072x128xf32, #tpu.memory_space<hbm>> -> memref<96x128xf32, #tpu.memory_space<hbm>>
      tpu.enqueue_dma source(%arg8 : memref<96x128xf32, #tpu.memory_space<vmem>>) target(%dma_start3A_15 : memref<96x128xf32, #tpu.memory_space<hbm>>) target_semaphore(%run_scoped3A : memref<!tpu.dma_semaphore, #tpu.memory_space<semaphore_mem>>)
      %dma_wait3A_16 = arith.constant 0 : i32
      %dma_wait3A_17 = tpu.memref_slice %arg5[%mul3A_2, %dma_wait3A_16] : memref<3072x128xf32, #tpu.memory_space<hbm>> -> memref<96x128xf32, #tpu.memory_space<hbm>>
      %dma_wait3A_18 = arith.constant 0 : i32
      %dma_wait3A_19 = tpu.memref_slice %arg5[%mul3A_2, %dma_wait3A_18] : memref<3072x128xf32, #tpu.memory_space<hbm>> -> memref<96x128xf32, #tpu.memory_space<hbm>>
      tpu.wait_dma2 semaphore(%run_scoped3A : memref<!tpu.dma_semaphore, #tpu.memory_space<semaphore_mem>>) src(%arg8 : memref<96x128xf32, #tpu.memory_space<vmem>>) dst(%dma_wait3A_19 : memref<96x128xf32, #tpu.memory_space<hbm>>)
      tpu.yield
    }) : () -> ()
    return
  }
}

module attributes {stable_mosaic.version = 14 : i64} {
  func.func @_phase_a_body(%arg0: i32, %arg1: i32, %arg2: memref<256x128xf32, #tpu.memory_space<vmem>>, %arg3: memref<10000x128xf32, #tpu.memory_space<vmem>>, %arg4: memref<256x3xf32, #tpu.memory_space<vmem>>, %arg5: memref<256x3xi32, #tpu.memory_space<vmem>>, %arg6: memref<256x8xf32, #tpu.memory_space<vmem>>, %arg7: memref<256x8xf32, #tpu.memory_space<vmem>>) attributes {dimension_semantics = [#tpu.dimension_semantics<arbitrary>, #tpu.dimension_semantics<arbitrary>], iteration_bounds = array<i64: 4, 10>, scalar_prefetch = 0 : i64, scratch_operands = 2 : i64, tpu.core_type = #tpu.core_type<tc>, window_params = [{transform_indices = @transform_0, window_bounds = array<i64: 256, 128>}, {transform_indices = @transform_1, window_bounds = array<i64: 10000, 128>}, {transform_indices = @transform_2, window_bounds = array<i64: 256, 3>}, {transform_indices = @transform_3, window_bounds = array<i64: 256, 3>}]} {
    %eq3A = arith.constant 0 : i32
    %eq3A_0 = arith.cmpi eq, %arg1, %eq3A : i32
    %convert_element_type3A = arith.extui %eq3A_0 : i1 to i32
    %cond3A = arith.constant 0 : i32
    %cond3A_1 = arith.cmpi ne, %convert_element_type3A, %cond3A : i32
    scf.if %cond3A_1 {
      %broadcast_in_dim3A_135 = arith.constant 0xFF800000 : f32
      %broadcast_in_dim3A_136 = vector.broadcast %broadcast_in_dim3A_135 : f32 to vector<256x8xf32>
      %swap3A_137 = arith.constant 0 : index
      %swap3A_138 = arith.constant 0 : index
      %swap3A_139 = vector.load %arg6[%swap3A_137, %swap3A_138] : memref<256x8xf32, #tpu.memory_space<vmem>>, vector<256x8xf32>
      tpu.vector_store %arg6[%swap3A_137, %swap3A_138], %broadcast_in_dim3A_136 {strides = array<i32>} : memref<256x8xf32, #tpu.memory_space<vmem>>, vector<256x8xf32>,
      %broadcast_in_dim3A_140 = arith.constant 0.000000e+00 : f32
      %broadcast_in_dim3A_141 = vector.broadcast %broadcast_in_dim3A_140 : f32 to vector<256x8xf32>
      %swap3A_142 = arith.constant 0 : index
      %swap3A_143 = arith.constant 0 : index
      %swap3A_144 = vector.load %arg7[%swap3A_142, %swap3A_143] : memref<256x8xf32, #tpu.memory_space<vmem>>, vector<256x8xf32>
      tpu.vector_store %arg7[%swap3A_142, %swap3A_143], %broadcast_in_dim3A_141 {strides = array<i32>} : memref<256x8xf32, #tpu.memory_space<vmem>>, vector<256x8xf32>,
    } else {
    }
    %get3A = arith.constant 0 : index
    %get3A_2 = arith.constant 0 : index
    %get3A_3 = vector.load %arg2[%get3A, %get3A_2] : memref<256x128xf32, #tpu.memory_space<vmem>>, vector<256x128xf32>
    %get3A_4 = arith.constant 0 : index
    %get3A_5 = arith.constant 0 : index
    %get3A_6 = vector.load %arg3[%get3A_4, %get3A_5] : memref<10000x128xf32, #tpu.memory_space<vmem>>, vector<10000x128xf32>
    %dot_general3A = arith.constant dense<0.000000e+00> : vector<256x10000xf32>
    %dot_general3A_7 = tpu.matmul %get3A_3, %get3A_6, %dot_general3A {dimension_numbers = #tpu.dot_dimension_numbers<[1], [1], [0], [0], [0, 0, 1, 0], [], []>, transpose_lhs_hint = false} : vector<256x128xf32>, vector<10000x128xf32>, vector<256x10000xf32> -> vector<256x10000xf32>
    %iota3A = tpu.iota {dimensions = array<i32: 1>} : vector<1x10000xi32>
    %mul3A = arith.constant 10000 : i32
    %mul3A_8 = arith.muli %arg1, %mul3A : i32
    %add3A = vector.broadcast %mul3A_8 : i32 to vector<1x10000xi32>
    %add3A_9 = arith.addi %iota3A, %add3A : vector<1x10000xi32>
    %convert_element_type3A_10 = arith.sitofp %add3A_9 : vector<1x10000xi32> to vector<1x10000xf32>
    %get3A_11 = arith.constant 0 : index
    %get3A_12 = arith.constant 0 : index
    %get3A_13 = vector.load %arg6[%get3A_11, %get3A_12] : memref<256x8xf32, #tpu.memory_space<vmem>>, vector<256x1xf32>
    %get3A_14 = arith.constant 0 : index
    %get3A_15 = arith.constant 1 : index
    %get3A_16 = vector.load %arg6[%get3A_14, %get3A_15] : memref<256x8xf32, #tpu.memory_space<vmem>>, vector<256x1xf32>
    %get3A_17 = arith.constant 0 : index
    %get3A_18 = arith.constant 2 : index
    %get3A_19 = vector.load %arg6[%get3A_17, %get3A_18] : memref<256x8xf32, #tpu.memory_space<vmem>>, vector<256x1xf32>
    %get3A_20 = arith.constant 0 : index
    %get3A_21 = arith.constant 0 : index
    %get3A_22 = vector.load %arg7[%get3A_20, %get3A_21] : memref<256x8xf32, #tpu.memory_space<vmem>>, vector<256x1xf32>
    %get3A_23 = arith.constant 0 : index
    %get3A_24 = arith.constant 1 : index
    %get3A_25 = vector.load %arg7[%get3A_23, %get3A_24] : memref<256x8xf32, #tpu.memory_space<vmem>>, vector<256x1xf32>
    %get3A_26 = arith.constant 0 : index
    %get3A_27 = arith.constant 2 : index
    %get3A_28 = vector.load %arg7[%get3A_26, %get3A_27] : memref<256x8xf32, #tpu.memory_space<vmem>>, vector<256x1xf32>
    %reduce_max3A = arith.constant dense<0xFF800000> : vector<256xf32>
    %reduce_max3A_29 = vector.multi_reduction <maximumf>, %dot_general3A_7, %reduce_max3A [1] : vector<256x10000xf32> to vector<256xf32>
    %broadcast_in_dim3A = vector.shape_cast %reduce_max3A_29 : vector<256xf32> to vector<256x1xf32>
    %eq3A_30 = vector.broadcast %broadcast_in_dim3A : vector<256x1xf32> to vector<256x10000xf32>
    %eq3A_31 = arith.cmpf oeq, %dot_general3A_7, %eq3A_30 : vector<256x10000xf32>
    %jit3A = arith.constant 0x7F800000 : f32
    %broadcast_in_dim3A_32 = vector.shape_cast %convert_element_type3A_10 : vector<1x10000xf32> to vector<1x10000xf32>
    %broadcast_in_dim3A_33 = vector.broadcast %broadcast_in_dim3A_32 : vector<1x10000xf32> to vector<256x10000xf32>
    %broadcast_in_dim3A_34 = vector.broadcast %jit3A : f32 to vector<256x10000xf32>
    %select_n3A = arith.select %eq3A_31, %broadcast_in_dim3A_33, %broadcast_in_dim3A_34 : vector<256x10000xi1>, vector<256x10000xf32>
    %reduce_min3A = arith.constant dense<0x7F800000> : vector<256xf32>
    %reduce_min3A_35 = vector.multi_reduction <minimumf>, %select_n3A, %reduce_min3A [1] : vector<256x10000xf32> to vector<256xf32>
    %broadcast_in_dim3A_36 = vector.shape_cast %reduce_min3A_35 : vector<256xf32> to vector<256x1xf32>
    %eq3A_37 = vector.broadcast %convert_element_type3A_10 : vector<1x10000xf32> to vector<256x10000xf32>
    %eq3A_38 = vector.broadcast %broadcast_in_dim3A_36 : vector<256x1xf32> to vector<256x10000xf32>
    %eq3A_39 = arith.cmpf oeq, %eq3A_37, %eq3A_38 : vector<256x10000xf32>
    %jit3A_40 = arith.constant 0xFF800000 : f32
    %broadcast_in_dim3A_41 = vector.broadcast %jit3A_40 : f32 to vector<256x10000xf32>
    %select_n3A_42 = arith.select %eq3A_39, %broadcast_in_dim3A_41, %dot_general3A_7 : vector<256x10000xi1>, vector<256x10000xf32>
    %gt3A = arith.cmpf ogt, %broadcast_in_dim3A, %get3A_13 : vector<256x1xf32>
    %gt3A_43 = arith.cmpf ogt, %broadcast_in_dim3A, %get3A_16 : vector<256x1xf32>
    %gt3A_44 = arith.cmpf ogt, %broadcast_in_dim3A, %get3A_19 : vector<256x1xf32>
    %select_n3A_45 = arith.select %gt3A, %broadcast_in_dim3A, %get3A_13 : vector<256x1xi1>, vector<256x1xf32>
    %select_n3A_46 = arith.select %gt3A, %broadcast_in_dim3A_36, %get3A_22 : vector<256x1xi1>, vector<256x1xf32>
    %select_n3A_47 = arith.select %gt3A_43, %broadcast_in_dim3A, %get3A_16 : vector<256x1xi1>, vector<256x1xf32>
    %select_n3A_48 = arith.select %gt3A, %get3A_13, %select_n3A_47 : vector<256x1xi1>, vector<256x1xf32>
    %select_n3A_49 = arith.select %gt3A_43, %broadcast_in_dim3A_36, %get3A_25 : vector<256x1xi1>, vector<256x1xf32>
    %select_n3A_50 = arith.select %gt3A, %get3A_22, %select_n3A_49 : vector<256x1xi1>, vector<256x1xf32>
    %select_n3A_51 = arith.select %gt3A_44, %broadcast_in_dim3A, %get3A_19 : vector<256x1xi1>, vector<256x1xf32>
    %select_n3A_52 = arith.select %gt3A_43, %get3A_16, %select_n3A_51 : vector<256x1xi1>, vector<256x1xf32>
    %select_n3A_53 = arith.select %gt3A_44, %broadcast_in_dim3A_36, %get3A_28 : vector<256x1xi1>, vector<256x1xf32>
    %select_n3A_54 = arith.select %gt3A_43, %get3A_25, %select_n3A_53 : vector<256x1xi1>, vector<256x1xf32>
    %reduce_max3A_55 = arith.constant dense<0xFF800000> : vector<256xf32>
    %reduce_max3A_56 = vector.multi_reduction <maximumf>, %select_n3A_42, %reduce_max3A_55 [1] : vector<256x10000xf32> to vector<256xf32>
    %broadcast_in_dim3A_57 = vector.shape_cast %reduce_max3A_56 : vector<256xf32> to vector<256x1xf32>
    %eq3A_58 = vector.broadcast %broadcast_in_dim3A_57 : vector<256x1xf32> to vector<256x10000xf32>
    %eq3A_59 = arith.cmpf oeq, %select_n3A_42, %eq3A_58 : vector<256x10000xf32>
    %jit3A_60 = arith.constant 0x7F800000 : f32
    %broadcast_in_dim3A_61 = vector.shape_cast %convert_element_type3A_10 : vector<1x10000xf32> to vector<1x10000xf32>
    %broadcast_in_dim3A_62 = vector.broadcast %broadcast_in_dim3A_61 : vector<1x10000xf32> to vector<256x10000xf32>
    %broadcast_in_dim3A_63 = vector.broadcast %jit3A_60 : f32 to vector<256x10000xf32>
    %select_n3A_64 = arith.select %eq3A_59, %broadcast_in_dim3A_62, %broadcast_in_dim3A_63 : vector<256x10000xi1>, vector<256x10000xf32>
    %reduce_min3A_65 = arith.constant dense<0x7F800000> : vector<256xf32>
    %reduce_min3A_66 = vector.multi_reduction <minimumf>, %select_n3A_64, %reduce_min3A_65 [1] : vector<256x10000xf32> to vector<256xf32>
    %broadcast_in_dim3A_67 = vector.shape_cast %reduce_min3A_66 : vector<256xf32> to vector<256x1xf32>
    %eq3A_68 = vector.broadcast %convert_element_type3A_10 : vector<1x10000xf32> to vector<256x10000xf32>
    %eq3A_69 = vector.broadcast %broadcast_in_dim3A_67 : vector<256x1xf32> to vector<256x10000xf32>
    %eq3A_70 = arith.cmpf oeq, %eq3A_68, %eq3A_69 : vector<256x10000xf32>
    %jit3A_71 = arith.constant 0xFF800000 : f32
    %broadcast_in_dim3A_72 = vector.broadcast %jit3A_71 : f32 to vector<256x10000xf32>
    %select_n3A_73 = arith.select %eq3A_70, %broadcast_in_dim3A_72, %select_n3A_42 : vector<256x10000xi1>, vector<256x10000xf32>
    %gt3A_74 = arith.cmpf ogt, %broadcast_in_dim3A_57, %select_n3A_45 : vector<256x1xf32>
    %gt3A_75 = arith.cmpf ogt, %broadcast_in_dim3A_57, %select_n3A_48 : vector<256x1xf32>
    %gt3A_76 = arith.cmpf ogt, %broadcast_in_dim3A_57, %select_n3A_52 : vector<256x1xf32>
    %select_n3A_77 = arith.select %gt3A_74, %broadcast_in_dim3A_57, %select_n3A_45 : vector<256x1xi1>, vector<256x1xf32>
    %select_n3A_78 = arith.select %gt3A_74, %broadcast_in_dim3A_67, %select_n3A_46 : vector<256x1xi1>, vector<256x1xf32>
    %select_n3A_79 = arith.select %gt3A_75, %broadcast_in_dim3A_57, %select_n3A_48 : vector<256x1xi1>, vector<256x1xf32>
    %select_n3A_80 = arith.select %gt3A_74, %select_n3A_45, %select_n3A_79 : vector<256x1xi1>, vector<256x1xf32>
    %select_n3A_81 = arith.select %gt3A_75, %broadcast_in_dim3A_67, %select_n3A_50 : vector<256x1xi1>, vector<256x1xf32>
    %select_n3A_82 = arith.select %gt3A_74, %select_n3A_46, %select_n3A_81 : vector<256x1xi1>, vector<256x1xf32>
    %select_n3A_83 = arith.select %gt3A_76, %broadcast_in_dim3A_57, %select_n3A_52 : vector<256x1xi1>, vector<256x1xf32>
    %select_n3A_84 = arith.select %gt3A_75, %select_n3A_48, %select_n3A_83 : vector<256x1xi1>, vector<256x1xf32>
    %select_n3A_85 = arith.select %gt3A_76, %broadcast_in_dim3A_67, %select_n3A_54 : vector<256x1xi1>, vector<256x1xf32>
    %select_n3A_86 = arith.select %gt3A_75, %select_n3A_50, %select_n3A_85 : vector<256x1xi1>, vector<256x1xf32>
    %reduce_max3A_87 = arith.constant dense<0xFF800000> : vector<256xf32>
    %reduce_max3A_88 = vector.multi_reduction <maximumf>, %select_n3A_73, %reduce_max3A_87 [1] : vector<256x10000xf32> to vector<256xf32>
    %broadcast_in_dim3A_89 = vector.shape_cast %reduce_max3A_88 : vector<256xf32> to vector<256x1xf32>
    %eq3A_90 = vector.broadcast %broadcast_in_dim3A_89 : vector<256x1xf32> to vector<256x10000xf32>
    %eq3A_91 = arith.cmpf oeq, %select_n3A_73, %eq3A_90 : vector<256x10000xf32>
    %jit3A_92 = arith.constant 0x7F800000 : f32
    %broadcast_in_dim3A_93 = vector.shape_cast %convert_element_type3A_10 : vector<1x10000xf32> to vector<1x10000xf32>
    %broadcast_in_dim3A_94 = vector.broadcast %broadcast_in_dim3A_93 : vector<1x10000xf32> to vector<256x10000xf32>
    %broadcast_in_dim3A_95 = vector.broadcast %jit3A_92 : f32 to vector<256x10000xf32>
    %select_n3A_96 = arith.select %eq3A_91, %broadcast_in_dim3A_94, %broadcast_in_dim3A_95 : vector<256x10000xi1>, vector<256x10000xf32>
    %reduce_min3A_97 = arith.constant dense<0x7F800000> : vector<256xf32>
    %reduce_min3A_98 = vector.multi_reduction <minimumf>, %select_n3A_96, %reduce_min3A_97 [1] : vector<256x10000xf32> to vector<256xf32>
    %broadcast_in_dim3A_99 = vector.shape_cast %reduce_min3A_98 : vector<256xf32> to vector<256x1xf32>
    %gt3A_100 = arith.cmpf ogt, %broadcast_in_dim3A_89, %select_n3A_77 : vector<256x1xf32>
    %gt3A_101 = arith.cmpf ogt, %broadcast_in_dim3A_89, %select_n3A_80 : vector<256x1xf32>
    %gt3A_102 = arith.cmpf ogt, %broadcast_in_dim3A_89, %select_n3A_84 : vector<256x1xf32>
    %select_n3A_103 = arith.select %gt3A_100, %broadcast_in_dim3A_89, %select_n3A_77 : vector<256x1xi1>, vector<256x1xf32>
    %select_n3A_104 = arith.select %gt3A_100, %broadcast_in_dim3A_99, %select_n3A_78 : vector<256x1xi1>, vector<256x1xf32>
    %select_n3A_105 = arith.select %gt3A_101, %broadcast_in_dim3A_89, %select_n3A_80 : vector<256x1xi1>, vector<256x1xf32>
    %select_n3A_106 = arith.select %gt3A_100, %select_n3A_77, %select_n3A_105 : vector<256x1xi1>, vector<256x1xf32>
    %select_n3A_107 = arith.select %gt3A_101, %broadcast_in_dim3A_99, %select_n3A_82 : vector<256x1xi1>, vector<256x1xf32>
    %select_n3A_108 = arith.select %gt3A_100, %select_n3A_78, %select_n3A_107 : vector<256x1xi1>, vector<256x1xf32>
    %select_n3A_109 = arith.select %gt3A_102, %broadcast_in_dim3A_89, %select_n3A_84 : vector<256x1xi1>, vector<256x1xf32>
    %select_n3A_110 = arith.select %gt3A_101, %select_n3A_80, %select_n3A_109 : vector<256x1xi1>, vector<256x1xf32>
    %select_n3A_111 = arith.select %gt3A_102, %broadcast_in_dim3A_99, %select_n3A_86 : vector<256x1xi1>, vector<256x1xf32>
    %select_n3A_112 = arith.select %gt3A_101, %select_n3A_82, %select_n3A_111 : vector<256x1xi1>, vector<256x1xf32>
    %swap3A = arith.constant 0 : index
    %swap3A_113 = arith.constant 0 : index
    %swap3A_114 = vector.load %arg6[%swap3A, %swap3A_113] : memref<256x8xf32, #tpu.memory_space<vmem>>, vector<256x1xf32>
    tpu.vector_store %arg6[%swap3A, %swap3A_113], %select_n3A_103 {strides = array<i32>} : memref<256x8xf32, #tpu.memory_space<vmem>>, vector<256x1xf32>,
    %swap3A_115 = arith.constant 0 : index
    %swap3A_116 = arith.constant 1 : index
    %swap3A_117 = vector.load %arg6[%swap3A_115, %swap3A_116] : memref<256x8xf32, #tpu.memory_space<vmem>>, vector<256x1xf32>
    tpu.vector_store %arg6[%swap3A_115, %swap3A_116], %select_n3A_106 {strides = array<i32>} : memref<256x8xf32, #tpu.memory_space<vmem>>, vector<256x1xf32>,
    %swap3A_118 = arith.constant 0 : index
    %swap3A_119 = arith.constant 2 : index
    %swap3A_120 = vector.load %arg6[%swap3A_118, %swap3A_119] : memref<256x8xf32, #tpu.memory_space<vmem>>, vector<256x1xf32>
    tpu.vector_store %arg6[%swap3A_118, %swap3A_119], %select_n3A_110 {strides = array<i32>} : memref<256x8xf32, #tpu.memory_space<vmem>>, vector<256x1xf32>,
    %swap3A_121 = arith.constant 0 : index
    %swap3A_122 = arith.constant 0 : index
    %swap3A_123 = vector.load %arg7[%swap3A_121, %swap3A_122] : memref<256x8xf32, #tpu.memory_space<vmem>>, vector<256x1xf32>
    tpu.vector_store %arg7[%swap3A_121, %swap3A_122], %select_n3A_104 {strides = array<i32>} : memref<256x8xf32, #tpu.memory_space<vmem>>, vector<256x1xf32>,
    %swap3A_124 = arith.constant 0 : index
    %swap3A_125 = arith.constant 1 : index
    %swap3A_126 = vector.load %arg7[%swap3A_124, %swap3A_125] : memref<256x8xf32, #tpu.memory_space<vmem>>, vector<256x1xf32>
    tpu.vector_store %arg7[%swap3A_124, %swap3A_125], %select_n3A_108 {strides = array<i32>} : memref<256x8xf32, #tpu.memory_space<vmem>>, vector<256x1xf32>,
    %swap3A_127 = arith.constant 0 : index
    %swap3A_128 = arith.constant 2 : index
    %swap3A_129 = vector.load %arg7[%swap3A_127, %swap3A_128] : memref<256x8xf32, #tpu.memory_space<vmem>>, vector<256x1xf32>
    tpu.vector_store %arg7[%swap3A_127, %swap3A_128], %select_n3A_112 {strides = array<i32>} : memref<256x8xf32, #tpu.memory_space<vmem>>, vector<256x1xf32>,
    %eq3A_130 = arith.constant 9 : i32
    %eq3A_131 = arith.cmpi eq, %arg1, %eq3A_130 : i32
    %convert_element_type3A_132 = arith.extui %eq3A_131 : i1 to i32
    %cond3A_133 = arith.constant 0 : i32
    %cond3A_134 = arith.cmpi ne, %convert_element_type3A_132, %cond3A_133 : i32
    scf.if %cond3A_134 {
      %get3A_135 = arith.constant 0 : index
      %get3A_136 = arith.constant 0 : index
      %get3A_137 = vector.load %arg6[%get3A_135, %get3A_136] : memref<256x8xf32, #tpu.memory_space<vmem>>, vector<256x3xf32>
      %swap3A_138 = arith.constant 0 : index
      %swap3A_139 = arith.constant 0 : index
      %swap3A_140 = vector.load %arg4[%swap3A_138, %swap3A_139] : memref<256x3xf32, #tpu.memory_space<vmem>>, vector<256x3xf32>
      tpu.vector_store %arg4[%swap3A_138, %swap3A_139], %get3A_137 {strides = array<i32>} : memref<256x3xf32, #tpu.memory_space<vmem>>, vector<256x3xf32>,
      %get3A_141 = arith.constant 0 : index
      %get3A_142 = arith.constant 0 : index
      %get3A_143 = vector.load %arg7[%get3A_141, %get3A_142] : memref<256x8xf32, #tpu.memory_space<vmem>>, vector<256x3xf32>
      %convert_element_type3A_144 = arith.fptosi %get3A_143 : vector<256x3xf32> to vector<256x3xi32>
      %swap3A_145 = arith.constant 0 : index
      %swap3A_146 = arith.constant 0 : index
      %swap3A_147 = vector.load %arg5[%swap3A_145, %swap3A_146] : memref<256x3xi32, #tpu.memory_space<vmem>>, vector<256x3xi32>
      tpu.vector_store %arg5[%swap3A_145, %swap3A_146], %convert_element_type3A_144 {strides = array<i32>} : memref<256x3xi32, #tpu.memory_space<vmem>>, vector<256x3xi32>,
    } else {
    }
    return
  }
  func.func @transform_0(%arg0: i32, %arg1: i32) -> (i32, i32) {
    %c0_i32 = arith.constant 0 : i32
    %c0_i32_0 = arith.constant 0 : i32
    return %arg0, %c0_i32 : i32, i32
  }
  func.func @transform_1(%arg0: i32, %arg1: i32) -> (i32, i32) {
    %c0_i32 = arith.constant 0 : i32
    %c0_i32_0 = arith.constant 0 : i32
    return %arg1, %c0_i32 : i32, i32
  }
  func.func @transform_2(%arg0: i32, %arg1: i32) -> (i32, i32) {
    %c0_i32 = arith.constant 0 : i32
    %c0_i32_0 = arith.constant 0 : i32
    return %arg0, %c0_i32 : i32, i32
  }
  func.func @transform_3(%arg0: i32, %arg1: i32) -> (i32, i32) {
    %c0_i32 = arith.constant 0 : i32
    %c0_i32_0 = arith.constant 0 : i32
    return %arg0, %c0_i32 : i32, i32
  }
}

</mosaic_0001>

<sc_bundles>
// kernel: kernel.4.cloned.1.call-start
scs
__scs_entry_jumppad:
0x0: {  	(pc) =	sbr.rel $0x88, $3  }
0x1: {  	(tag) =	ssettag $0x0;
	lr =	simm.s32 $0x1  }
0x2: {  	[smem:$0x3F9F] =	sst lr;
	_ =	strace $0xD0000000  }
0x3: {  	_ = 	snop  }
0x4: {  	_ = 	snop  }
0x5: {  	_ = 	snop  }
0x6: {  	_ = 	snop  }
0x7: {  	_ = 	snop  }
__scs_overlays_trampoline_lowered:
0x8: {  	[smem:$0x3FAE] =	sst s0  }
0x9: {  	[smem:$0x3FAF] =	sst s1  }
0xa: {  	[smem:$0x3FB0] =	sst s2  }
0xb: {  	[smem:$0x3FB1] =	sst s3  }
0xc: {  	[smem:$0x3FB2] =	sst s4  }
0xd: {  	[smem:$0x3FB3] =	sst s5  }
0xe: {  	[smem:$0x3FB4] =	sst s6  }
0xf: {  	[smem:$0x3FB5] =	sst s7  }
0x10: {  	[smem:$0x3FB6] =	sst s8  }
0x11: {  	[smem:$0x3FB7] =	sst s9;
	s0 =	simm.s32 @!p0 $0x0  }
0x12: {  	s1 =	sld [smem:$0x3F9D];
	s0 =	simm.s32 @p0 $0x1  }
0x13: {  	[smem:$0x3FB8] =	sst s0;
	s0 =	simm.s32 @!p1 $0x0  }
0x14: {  	s2 =	sld [smem:$0x3F9C];
	s0 =	simm.s32 @p1 $0x1  }
0x15: {  	[smem:$0x3FB9] =	sst s0;
	s0 =	simm.s32 @!p2 $0x0  }
0x16: {  	s3 =	sld [smem:$0x3FDB];
	s0 =	simm.s32 @p2 $0x1  }
0x17: {  	s4 =	simm.s32 $0x1BF5;
	[smem:$0x3FBB] =	sst s0  }
0x18: {  	s0 =	sld [smem:$0x3F9E];
	_ =	swait.ge [sflag:s4], $0x0  }
0x19: {  	s7 =	sld [smem:$0x3F9F]  }
0x1a: {  	s8 =	sadd.s32 $0xFFFFE003, lr  }
0x1b: {  	s9 =	sadd.s32 $0xFFFFFEF7, lr;
	s5 =	simm.s32 $0xFFFFFFFF;
	p2 =	slt.u32 s8, $0xFFFFF086  }
0x1c: {  	p1 =	slt.u32 s9, $0xF7A;
	s5 =	simm.s32 @!p2 $0x0  }
0x1d: {  	s5 =	simm.s32 @p1 $0x1;
	p0 =	seq.s32 s7, s2  }
0x1e: {  	s7 =	smul.u32 @!p0 $0xF7A, s2;
	p2 =	seq.s32 @!p0 s5, $0x0  }
0x1f: {  	s9 =	smul.u32 $0xF7A, s1;
	s8 =	simm.s32 @!p0 $0x1BF5;
	p2 =	por !p2, p0  }
0x20: {  	[sflag:s8] =	ssyncset.s32 @!p0 $0xFFFFF086;
	s6 =	sadd.s32 @!p0 s3, s7;
	s7 =	simm.s32 @!p0 $0x108  }
0x21: {  	s3 =	sadd.s32 s3, s9;
	s6 =	sadd.s32 @!p0 $0x88, s6;
	s7 =	simm.s32 @p2 $0x1082  }
0x22: {  	[simem:s7], [sflag:s8] =	dma.local @!p0 [hbm:s6], $0xF7A  }
0x23: {  	s9 =	sor.u32 $0xD0000000, s2;
	s6 =	simm.s32 $0x108;
	_ =	swait.ge @!p0 [sflag:s8], $0x0  }
0x24: {  	s3 =	sadd.s32 $0x88, s3;
	s6 =	simm.s32 @!p1 $0x1082;
	[sflag:s4] =	ssyncset.s32 $0xFFFFF086  }
0x25: {  	[simem:s6], [sflag:s4] =	dma.local [hbm:s3], $0xF7A  }
0x26: {  	[smem:$0x3F9F] =	sst s1;
	(tag) =	ssettag s2;
	_ =	strace s9  }
0x27: {  	s1 =	sld [smem:$0x3FAF]  }
0x28: {  	s2 =	sld [smem:$0x3FB0]  }
0x29: {  	s4 =	sld [smem:$0x3FB2]  }
0x2a: {  	p0 =	seq.s32 s5, $0x0;
	s5 =	sld [smem:$0x3FB3]  }
0x2b: {  	s6 =	sld [smem:$0x3FB4]  }
0x2c: {  	s7 =	sld [smem:$0x3FB5]  }
0x2d: {  	s3 =	simm.s32 $0x108;
	s8 =	sld [smem:$0x3FB6]  }
0x2e: {  	s3 =	simm.s32 @!p0 $0x1082;
	s9 =	sld [smem:$0x3FB7]  }
0x2f: {  	lr =	sadd.s32 s0, s3;
	s0 =	sld [smem:$0x3FAE]  }
0x30: {  	s3 =	sld [smem:$0x3FB1]  }
0x31: {  	[smem:$0x3FBA] =	sst s10  }
0x32: {  	s10 =	sld [smem:$0x3FB8];
	_ =	sdelay $0x3  }
0x33: {  	p0 =	seq.s32 s10, $0x1;
	s10 =	sld [smem:$0x3FBA];
	_ =	sdelay $0x3  }
0x34: {  	[smem:$0x3FBA] =	sst s10  }
0x35: {  	s10 =	sld [smem:$0x3FB9];
	_ =	sdelay $0x3  }
0x36: {  	p1 =	seq.s32 s10, $0x1;
	s10 =	sld [smem:$0x3FBA];
	_ =	sdelay $0x3  }
0x37: {  	[smem:$0x3FBA] =	sst s10  }
0x38: {  	s10 =	sld [smem:$0x3FBB]  }
0x39: {  	_ = 	snop;
	(pc) =	sbr.ind lr, $3  }
0x3a: {  	_ = 	snop  }
0x3b: {  	_ = 	snop  }
0x3c: {  	p2 =	seq.s32 s10, $0x1;
	s10 =	sld [smem:$0x3FBA]  }
0x3d: {  	_ =	shalt  }
0x3e: {  	_ =	shalt  }
0x3f: {  	_ =	shalt  }
0x40: {  	_ =	shalt  }
0x41: {  	_ =	shalt  }
0x42: {  	_ =	shalt  }
0x43: {  	_ =	shalt  }
0x44: {  	_ =	shalt  }
0x45: {  	_ =	shalt  }
0x46: {  	_ =	shalt  }
0x47: {  	_ =	shalt  }
0x48: {  	_ =	shalt  }
0x49: {  	_ =	shalt  }
0x4a: {  	_ =	shalt  }
0x4b: {  	_ =	shalt  }
0x4c: {  	_ =	shalt  }
0x4d: {  	_ =	shalt  }
0x4e: {  	_ =	shalt  }
0x4f: {  	_ =	shalt  }
0x50: {  	_ =	shalt  }
0x51: {  	_ =	shalt  }
0x52: {  	_ =	shalt  }
0x53: {  	_ =	shalt  }
0x54: {  	_ =	shalt  }
0x55: {  	_ =	shalt  }
0x56: {  	_ =	shalt  }
0x57: {  	_ =	shalt  }
0x58: {  	_ =	shalt  }
0x59: {  	_ =	shalt  }
0x5a: {  	_ =	shalt  }
0x5b: {  	_ =	shalt  }
0x5c: {  	_ =	shalt  }
0x5d: {  	_ =	shalt  }
0x5e: {  	_ =	shalt  }
0x5f: {  	_ =	shalt  }
0x60: {  	_ =	shalt  }
0x61: {  	_ =	shalt  }
0x62: {  	_ =	shalt  }
0x63: {  	_ =	shalt  }
0x64: {  	_ =	shalt  }
0x65: {  	_ =	shalt  }
0x66: {  	_ =	shalt  }
0x67: {  	_ =	shalt  }
0x68: {  	_ =	shalt  }
0x69: {  	_ =	shalt  }
0x6a: {  	_ =	shalt  }
0x6b: {  	_ =	shalt  }
0x6c: {  	_ =	shalt  }
0x6d: {  	_ =	shalt  }
0x6e: {  	_ =	shalt  }
0x6f: {  	_ =	shalt  }
0x70: {  	_ =	shalt  }
0x71: {  	_ =	shalt  }
0x72: {  	_ =	shalt  }
0x73: {  	_ =	shalt  }
0x74: {  	_ =	shalt  }
0x75: {  	_ =	shalt  }
0x76: {  	_ =	shalt  }
0x77: {  	_ =	shalt  }
0x78: {  	_ =	shalt  }
0x79: {  	_ =	shalt  }
0x7a: {  	_ =	shalt  }
0x7b: {  	_ =	shalt  }
0x7c: {  	_ =	shalt  }
0x7d: {  	_ =	shalt  }
0x7e: {  	_ =	shalt  }
0x7f: {  	_ =	shalt  }
0x80: {  	_ =	shalt  }
0x81: {  	_ =	shalt  }
0x82: {  	_ =	shalt  }
0x83: {  	_ =	shalt  }
0x84: {  	_ =	shalt  }
0x85: {  	_ =	shalt  }
0x86: {  	_ =	shalt  }
0x87: {  	_ =	shalt  }
.Lfunc_end0:
.L_simem_size_0:
called_computation_lowered:
.L_overlay_start_0:
0x88: {  	s2 =	sld [smem:$0x3FD9]  }
0x89: {  	s3 =	sld [smem:$0x3FFE];
	_ =	sdelay $0x1  }
0x8a: {  	s1 =	srdreg.scid  }
0x8b: {  	s0 =	sand.u32 $0x1, s1  }
0x8c: {  	s17 =	sshll.u32 s0, $0xA;
	s2 =	sadd.s32 s3, s2  }
0x8d: {  	s2 =	sadd.s32 s2, s17  }
0x8e: {  	[smem:$0x3FC6] =	sst s2  }
0x8f: {  	_ = 	snop  }
0x90: {  	s2 =	sld [smem:$0x3FC8]  }
0x91: {  	s18 =	sld [smem:$0x3FD0];
	(tm) =	ssettm $0x1  }
0x92: {  	s4 =	sld [smem:$0x3FFB];
	_ =	sdelay $0x3  }
0x93: {  	_ =	strace s4  }
0x94: {  	s4 =	sld [smem:$0x3FFC];
	_ =	sdelay $0x3  }
0x95: {  	_ =	strace s4  }
0x96: {  	s4 =	sld [smem:$0x3FFD];
	_ =	sdelay $0x3  }
0x97: {  	_ =	strace s4  }
0x98: {  	_ =	strace $0x8FFFFFFF  }
0x99: {  	s19 =	sld [smem:$0x3FDB];
	_ =	sdelay $0x1  }
0x9a: {  	s5 =	simm.s32 $_scs_section_size  }
0x9b: {  	s6 =	simm.s32 $_size__tile_overlayer_lowered;
	s7 =	simm.s32 $_tile_overlayer_lowered  }
0x9c: {  	s22 =	simm.s32 $0x1BFF;
	s21 =	sshll.u32 s7, $0x1;
	s4 =	sadd.s32 s5, s19  }
0x9d: {  	s8 =	simm.s32 $0x0;
	s20 =	sshll.u32 s6, $0x1;
	s6 =	sadd.s32 s21, s4  }
0x9e: {  	[timem:s8], [sflag:s22] =	dma.local [hbm:s6], s20  }
0x9f: {  	_ =	swait.ge [sflag:s22], s20  }
0xa0: {  	s5 =	ssub.s32 $0x0, s20;
	[sflag:s22] =	ssyncset.done $0x0  }
0xa1: {  	[sflag:s22] =	ssyncadd.s32 s5;
	_ =	sdelay $0x1  }
0xa2: {  	s23 =	simm.s32 $0x1B8B  }
0xa3: {  	_ =	swait.ge [sflag:s23], $0x1  }
0xa4: {  	[sflag:s23] =	ssyncset.done $0x0  }
0xa5: {  	s25 =	simm.s32 $0x1B8E;
	s24 =	sld [smem:$0x3FFE];
	[sflag:s23] =	ssyncadd.s32 $0xFFFFFFFF  }
0xa6: {  	s26 =	simm.s32 $execute0_lowered;
	[smem:$0x3FD2] =	sst s25  }
0xa7: {  	s6 =	sshll.u32 s26, $0x1;
	_ =	strace $0x80000046;
	[dreg:$0x1] =	wrdreg $0xFFFFFFFF  }
0xa8: {  	s28 =	simm.s32 $_size_execute0_lowered;
	s4 =	sadd.s32 s4, s6;
	[dreg:$0x0] =	wrdreg $0x0  }
0xa9: {  	s6 =	sshll.u32 s28, $0x1;
	[dreg:$0x2] =	wrdreg s4  }
0xaa: {  	[dreg:$0x3] =	wrdreg s6  }
0xab: {  	[dreg:$0x4] =	wrdreg $0xC0  }
0xac: {  	_ =	task [dreg:s8], $0x5FFFF  }
0xad: {  	[dreg:$0x1] =	wrdreg $0xFFFFFFFF  }
0xae: {  	[dreg:$0x0] =	wrdreg $0x60  }
0xaf: {  	[dreg:$0x2] =	wrdreg s2  }
0xb0: {  	[dreg:$0x3] =	wrdreg s24  }
0xb1: {  	[dreg:$0x4] =	wrdreg s18  }
0xb2: {  	[dreg:$0x5] =	wrdreg $0x9  }
0xb3: {  	_ =	task.clear_ibuf [dreg:s8], $0x6FFFF;
	_ =	strace $0x90000046  }
0xb4: {  	s29 =	simm.s32 $0x9;
	_ =	strace $0x80000048  }
0xb5: {  	_ =	swait.ge [sflag:s29], $0x1  }
0xb6: {  	[sflag:s29] =	ssyncadd.s32 $0xFFFFFFFF  }
0xb7: {  	_ =	strace $0x90000048  }
0xb8: {  	_ =	sfence  }
0xb9: {  	s30 =	sld [smem:$0x0];
	_ =	sdelay $0x2  }
0xba: {  	s31 =	sshll.u32 s1, $0xD;
	s1 =	sshrl.u32 s1, $0x2  }
0xbb: {  	s3 =	sand.u32 $0x4000, s31;
	s1 =	sadd.s32 s1, s30  }
0xbc: {  	s0 =	sor.u32 s3, s0;
	s1 =	sshll.u32 s1, $0x11  }
0xbd: {  	s0 =	sor.u32 s1, s0  }
0xbe: {  	s0 =	sadd.s32 $0x8F2B, s0  }
0xbf: {  	[sflag:s0] =	ssyncadd.remote.s32 $0x1  }
0xc0: {  	_ =	sfence.sel $0xFFFF  }
0xc1: {  	[dreg:$0x0] =	wrdreg $0xFFFFFFFF;
	(pc) =	sbr.abs _section_cstart, $3  }
0xc2: {  	[dreg:$0x1] =	wrdreg $0xFFFFFFFF  }
0xc3: {  	_ =	task.clear_ibuf [dreg:s8], $0x2FFFF;
	_ =	strace $0x9FFFFFFF  }
0xc4: {  	(tm) =	ssettm $0x7FFFFFFF  }
0xc5: {  	_ =	shalt  }
tec
execute0_lowered:
.L_overlay_start_1:
0x0: {  	(tag) =	ssettag $0x1  }
0x1: {  	s1 =	rddreg [dreg:$0x0]  }
0x2: {  	s2 =	srdreg.scid;
	s4 =	rddreg [dreg:$0x1]  }
0x3: {  	s0 =	stileid.u32;
	s6 =	rddreg [dreg:$0x2]  }
0x4: {  	s3 =	simm.s32 $0x0;
	s5 =	sand.u32 $0x1, s2;
	s31 =	sshll.u32 s0, $0x1  }
0x5: {  	s11 =	simm.s32 $0x3080;
	s12 =	simm.s32 $0x1;
	s7 =	sor.u32 s5, s31  }
0x6: {  	s13 =	simm.s32 $0x0;
	s5 =	ssub.s32 $0x2, s5;
	s8 =	smul.u32 $0xC, s7  }
0x7: {  	[smem:$0x7FF] =	sst s3;
	s7 =	smul.u32 $0x600, s7;
	s9 =	sshrl.u32 s5, $0x1  }
0x8: {  	s2 =	rddreg [dreg:$0x3];
	_ =	strace $0x80000047;
	s9 =	ssub.s32 s5, s9  }
0x9: {  	s8 =	sadd.s32 s8, s4;
	s10 =	sadd.s32 s7, s4;
	s5 =	sadd.s32 s6, s7  }
0xa: {  	s7 =	smax.u32 s9, $0x1;
	s9 =	simm.s32 $0x80;
	s4 =	sadd.s32 $0x800, s8  }
0xb: {  	s6 =	sadd.s32 $0xA00, s10;
	s8 =	simm.s32 $0x2;
	s10 =	simm.s32 $0x60  }
.LBB2_1:
0xc: {  	[tilespmem:s3], [sflag:$0x2] =	stream.linear.gather [hbm4b:s4+s3], $0x60, $0x38;
	[tilespmem:$0x6080] =	vst v63  }
0xd: {  	_ =	swait.ge [sflag:s8], $0x60  }
0xe: {  	[sflag:s8] =	ssyncset.done $0x0  }
0xf: {  	[sflag:s8] =	ssyncadd.s32 $0xFFFFFFA0  }
0x10: {  	[tilespmem:s9], [sflag:$0x2] =	stream.linear.gather [hbm4b:s5+s3], $0x3000, $0x38;
	[tilespmem:$0x6080] =	vst v63  }
0x11: {  	_ =	swait.ge [sflag:s8], $0x3000  }
0x12: {  	[sflag:s8] =	ssyncset.done $0x0  }
0x13: {  	[sflag:s8] =	ssyncadd.s32 $0xFFFFD000  }
0x14: {  	[tilespmem:s11], [sflag:$0x1] =	stream.indirect.gather [hbm4b:s1+s10], $0x80, s3, s10, $0xb8;
	[tilespmem:$0x6080] =	vst v63  }
0x15: {  	_ =	swait.ge [sflag:s12], $0x3000  }
0x16: {  	[sflag:s12] =	ssyncset.done $0x0  }
0x17: {  	s14 =	simm.s32 $0x0;
	[sflag:s12] =	ssyncadd.s32 $0xFFFFD000  }
0x18: {  	v0 =	vld [tilespmem:s14+$0x80]  }
0x19: {  	v4 =	vld [tilespmem:s14+$0x3080]  }
0x1a: {  	v6 =	vld [tilespmem:s14+$0x3090]  }
0x1b: {  	v5 =	vld [tilespmem:s14+$0x30A0]  }
0x1c: {  	v3 =	vld [tilespmem:s14+$0x30B0]  }
0x1d: {  	v1 =	vld [tilespmem:s14+$0x30C0]  }
0x1e: {  	v2 =	vld [tilespmem:s14+$0x30D0];
	v7 =	vmul.f32 v4, v0  }
0x1f: {  	s15 =	simm.s32 $0x200;
	v6 =	vmul.f32 v6, v0;
	v4 =	vld [tilespmem:s14+$0x30E0]  }
.LBB2_2:
0x20: {  	s16 =	sshra.s32 s15, $0x2;
	p0 =	sne.s32 s15, $0xBE00;
	[tilespmem:s14+$0x3080] =	vst v7;
	v5 =	vmul.f32 v5, v0;
	v7 =	vld [tilespmem:s14+$0x30F0]  }
0x21: {  	v8 =	vld [tilespmem:s16+$0x80];
	[tilespmem:s14+$0x3090] =	vst v6;
	v3 =	vmul.f32 v3, v0  }
0x22: {  	v6 =	vld [tilespmem:s16+$0x3080];
	[tilespmem:s14+$0x30A0] =	vst v5;
	v1 =	vmul.f32 v1, v0  }
0x23: {  	v9 =	vld [tilespmem:s16+$0x3090];
	[tilespmem:s14+$0x30B0] =	vst v3;
	v2 =	vmul.f32 v2, v0  }
.Ltmp0:
0x24: {  	v5 =	vld [tilespmem:s16+$0x30A0];
	[tilespmem:s14+$0x30C0] =	vst v1;
	v4 =	vmul.f32 v4, v0;
	(pc) =	sbr.rel @p0 .LBB2_2-.Ltmp0, $4  }
0x25: {  	v3 =	vld [tilespmem:s16+$0x30B0];
	[tilespmem:s14+$0x30D0] =	vst v2;
	v10 =	vmul.f32 v7, v0  }
0x26: {  	v1 =	vld [tilespmem:s16+$0x30C0];
	[tilespmem:s14+$0x30E0] =	vst v4;
	v0 =	vmov v8  }
0x27: {  	v7 =	vmul.f32 v6, v0;
	v2 =	vld [tilespmem:s16+$0x30D0];
	[tilespmem:s14+$0x30F0] =	vst v10;
	s14 =	smov.u32 s16  }
0x28: {  	s15 =	sadd.s32 $0x200, s15;
	v6 =	vmul.f32 v9, v0;
	v4 =	vld [tilespmem:s14+$0x30E0]  }
0x29: {  	[tilespmem:s14+$0x3080] =	vst v7;
	v5 =	vmul.f32 v5, v0;
	v61 =	vld [tilespmem:s14+$0x30F0]  }
0x2a: {  	[tilespmem:s14+$0x3090] =	vst v6;
	v3 =	vmul.f32 v3, v0  }
0x2b: {  	[tilespmem:s14+$0x30A0] =	vst v5;
	v1 =	vmul.f32 v1, v0  }
0x2c: {  	[tilespmem:s14+$0x30B0] =	vst v3;
	v2 =	vmul.f32 v2, v0  }
0x2d: {  	[tilespmem:s14+$0x30C0] =	vst v1;
	v62 =	vmul.f32 v4, v0  }
0x2e: {  	s13 =	sadd.s32 $0x1, s13;
	[tilespmem:s14+$0x30D0] =	vst v2;
	v63 =	vmul.f32 v61, v0  }
0x2f: {  	p0 =	sne.s32 s13, s7;
	[tilespmem:s14+$0x30E0] =	vst v62  }
.Ltmp1:
0x30: {  	[tilespmem:s14+$0x30F0] =	vst v63;
	(pc) =	sbr.rel @p0 .LBB2_1-.Ltmp1, $4  }
0x31: {  	[hbm4b:s6+s3] =	stream.linear.scatter [tilespmem:s11], [sflag:$0x2], $0x3000, $0x38;
	[tilespmem:$0x6080] =	vst v63  }
0x32: {  	_ =	swait.ge [sflag:s8], $0x3000  }
0x33: {  	[sflag:s8] =	ssyncset.done $0x0  }
0x34: {  	[sflag:s8] =	ssyncadd.s32 $0xFFFFD000  }
0x35: {  	_ =	sfence.sel $0x180000  }
0x36: {  	[bflag:$0x0] =	sbarrier.arrive $0xFFFF  }
0x37: {  	p0 =	sne.s32 s0, $0x0;
	_ =	strace $0x90000047  }
0x38: {  	s0 =	sadd.s32 @!p0 $0x100000, s2;
	[bflag:$0x2] =	sbarrier.arrive $0xFFFF  }
0x39: {  	[sflag:s0] =	ssyncadd.tile.s32 @!p0 $0x1;
	_ =	shalt  }
.Lfunc_end2:
_tile_overlayer_lowered:
.L_overlay_start_2:
0x3a: {  	(tag) =	ssettag $0x2  }
0x3b: {  	s0 =	rddreg [dreg:$0x0];
	s2 =	stileid.u32  }
0x3c: {  	s1 =	rddreg [dreg:$0x1];
	p0 =	sne.s32 s2, $0x0  }
0x3d: {  	s3 =	rddreg [dreg:$0x2];
	[bflag:$0x3] =	sbarrier.arrive $0xFFFF;
	s2 =	simm.s32 @!p0 $0x1C02  }
0x3e: {  	[timem:s3], [sflag:s2] =	dma.local @!p0 [hbm:s0], s1  }
0x3f: {  	s0 =	simm.s32 @!p0 $0x2  }
0x40: {  	_ =	swait.ge @!p0 [sflag:s0], s1  }
0x41: {  	s1 =	ssub.s32 @!p0 $0x0, s1;
	[sflag:s0] =	ssyncset.done @!p0 $0x0  }
0x42: {  	[sflag:s0] =	ssyncadd.s32 @!p0 s1  }
0x43: {  	[bflag:$0x3] =	sbarrier.arrive $0xFFFF  }
0x44: {  	_ =	shalt  }

</sc_bundles>
